<compile_context>
chip_gen: v7x
topology: tpu7x:2x2x1
jax: 0.10.2.dev20260603
libtpu: 0.0.44.dev20260713+nightly
codegen_flags: <defaults>
</compile_context>

<pallas_src>
import functools

import jax
import jax.numpy as jnp
from jax import lax
from jax.experimental import pallas as pl
from jax.experimental.pallas import tpu as pltpu
from jax.experimental.pallas import tpu_sc as plsc


def _build(B, T, D, dtype):
    info = plsc.get_sparse_core_info()
    NC = info.num_cores
    NS = info.num_subcores
    L = info.num_lanes

    bpc = max(1, B // NC)
    parts = NS // bpc
    chunk = T // parts
    dchunk = D // parts

    mesh = plsc.VectorSubcoreMesh(core_axis_name="c", subcore_axis_name="s")

    @functools.partial(
        pl.kernel,
        mesh=mesh,
        out_type=jax.ShapeDtypeStruct((B, D), dtype),
        scratch_types=[
            pltpu.VMEM((chunk,), jnp.int32),
            pltpu.VMEM((L,), jnp.int32),
            pltpu.VMEM((parts, L), jnp.int32),
            pltpu.VMEM_SHARED((NS, L), jnp.int32),
            pltpu.VMEM((dchunk,), dtype),
        ],
    )
    def k(hidden_hbm, mask_hbm, out_hbm, mask_v, part_v, gath_v, shared, row_v):
        c = lax.axis_index("c")
        s = lax.axis_index("s")
        lb = s // parts
        b = c * bpc + lb
        p = lax.rem(s, parts)
        active = b < B

        @pl.when(active)
        def _():
            pltpu.sync_copy(mask_hbm.at[b, pl.ds(p * chunk, chunk)], mask_v)

            def body(i, acc):
                return acc + mask_v[pl.ds(i * L, L)]

            acc = lax.fori_loop(0, chunk // L, body, jnp.zeros((L,), jnp.int32))
            part_v[...] = acc
            pltpu.sync_copy(part_v, shared.at[s])

        plsc.subcore_barrier()

        @pl.when(active)
        def _():
            base = lb * parts
            pltpu.sync_copy(shared.at[pl.ds(base, parts)], gath_v)
            acc = gath_v[0]
            for q in range(1, parts):
                acc = acc + gath_v[q]
            total = acc[0]
            for j in range(1, L):
                total = total + acc[j]
            slen = total - 1
            slen = jnp.maximum(jnp.minimum(slen, T - 1), 0)
            off = p * dchunk
            pltpu.sync_copy(hidden_hbm.at[b, slen, pl.ds(off, dchunk)], row_v)
            pltpu.sync_copy(row_v, out_hbm.at[b, pl.ds(off, dchunk)])

    return k


def kernel(hidden_states, attention_mask):
    B, T, D = hidden_states.shape
    k = _build(B, T, D, hidden_states.dtype)
    return k(hidden_states, attention_mask)

# --- scband reference (transcript-rebuilt; emitter-appended) ---
"""Pipeline reference for scband-last-token-pooling-35768487641665 (READ-ONLY COPY).

The authoritative reference and input builder live on the scoring server;
editing this copy changes nothing except your own understanding.
"""

import jax, jax.numpy as jnp
import numpy as np

B, T, D = 4, 8192, 2048

def setup_inputs(seed: int = 0) -> dict:
    key = jax.random.key(seed)
    k1, _ = jax.random.split(key)
    hidden_states = jax.random.normal(k1, (B, T, D), dtype=jnp.float32)
    attention_mask = jnp.ones((B, T), dtype=jnp.int32)
    return {"hidden_states": hidden_states, "attention_mask": attention_mask}

def reference(hidden_states, attention_mask):
    seq_lens = jnp.sum(attention_mask, axis=1) - 1
    batch_indices = jnp.arange(hidden_states.shape[0])
    return hidden_states[batch_indices, seq_lens]

if __name__ == "__main__":
    import jax
    _d = setup_inputs()
    print(jax.jit(kernel)(*tuple(_d.values())))

</pallas_src>

<mosaic_0001>
#map = affine_map<(d0, d1) -> (0, 0, 0)>
#map1 = affine_map<(d0, d1) -> (0, 0)>
module attributes {stable_mosaic.version = 14 : i64} {
  func.func @k(%arg0: i32, %arg1: i32, %arg2: memref<4x8192x2048xf32, #tpu.memory_space<hbm>>, %arg3: memref<4x8192xi32, #tpu.memory_space<hbm>>, %arg4: memref<4x2048xf32, #tpu.memory_space<hbm>>, %arg5: memref<1024xi32, #tpu.memory_space<vmem>>, %arg6: memref<16xi32, #tpu.memory_space<vmem>>, %arg7: memref<8x16xi32, #tpu.memory_space<vmem>>, %arg8: memref<16x16xi32, #tpu.memory_space<vmem_shared>>, %arg9: memref<256xf32, #tpu.memory_space<vmem>>) attributes {dimension_semantics = [#tpu.dimension_semantics<core_parallel>, #tpu.dimension_semantics<subcore_parallel>], iteration_bounds = array<i64: 2, 16>, scalar_prefetch = 0 : i64, scratch_operands = 5 : i64, tpu.core_type = #tpu.core_type<sc_vector_subcore>, window_params = [{transform_indices = #map}, {transform_indices = #map1}, {transform_indices = #map1}]} {
    %jit3A = arith.constant 8 : i32
    %div3A = arith.divsi %arg1, %jit3A : i32
    %sign3A = arith.constant 0 : i32
    %sign3A_0 = arith.cmpi sgt, %arg1, %sign3A : i32
    %sign3A_1 = arith.extui %sign3A_0 : i1 to i32
    %sign3A_2 = arith.constant 0 : i32
    %sign3A_3 = arith.cmpi slt, %arg1, %sign3A_2 : i32
    %sign3A_4 = arith.extui %sign3A_3 : i1 to i32
    %sign3A_5 = arith.subi %sign3A_1, %sign3A_4 : i32
    %sign3A_6 = arith.constant 0 : i32
    %sign3A_7 = arith.cmpi sgt, %jit3A, %sign3A_6 : i32
    %sign3A_8 = arith.extui %sign3A_7 : i1 to i32
    %sign3A_9 = arith.constant 0 : i32
    %sign3A_10 = arith.cmpi slt, %jit3A, %sign3A_9 : i32
    %sign3A_11 = arith.extui %sign3A_10 : i1 to i32
    %sign3A_12 = arith.subi %sign3A_8, %sign3A_11 : i32
    %ne3A = arith.cmpi ne, %sign3A_5, %sign3A_12 : i32
    %rem3A = arith.remsi %arg1, %jit3A : i32
    %ne3A_13 = arith.constant 0 : i32
    %ne3A_14 = arith.cmpi ne, %rem3A, %ne3A_13 : i32
    %and3A = arith.andi %ne3A, %ne3A_14 : i1
    %sub3A = arith.constant 1 : i32
    %sub3A_15 = arith.subi %div3A, %sub3A : i32
    %select_n3A = arith.select %and3A, %sub3A_15, %div3A : i32
    %mul3A = arith.constant 2 : i32
    %mul3A_16 = arith.muli %arg0, %mul3A : i32
    %add3A = arith.addi %mul3A_16, %select_n3A : i32
    %rem3A_17 = arith.constant 8 : i32
    %rem3A_18 = arith.remsi %arg1, %rem3A_17 : i32
    %lt3A = arith.constant 4 : i32
    %lt3A_19 = arith.cmpi slt, %add3A, %lt3A : i32
    %convert_element_type3A = arith.extui %lt3A_19 : i1 to i32
    %cond3A = arith.constant 0 : i32
    %cond3A_20 = arith.cmpi ne, %convert_element_type3A, %cond3A : i32
    scf.if %cond3A_20 {
      %mul3A_24 = arith.constant 1024 : i32
      %mul3A_25 = arith.muli %rem3A_18, %mul3A_24 : i32
      "tpu.region"() ({
        %run_scoped3A = tpu.sem_alloc : memref<!tpu.dma_semaphore, #tpu.memory_space<semaphore_mem>>
        %dma_start3A = tpu.memref_slice %arg3[%add3A, %mul3A_25] : memref<4x8192xi32, #tpu.memory_space<hbm>> -> memref<1x1024xi32, #tpu.memory_space<hbm>>
        %dma_start3A_35 = tpu.memref_squeeze %dma_start3A : memref<1x1024xi32, #tpu.memory_space<hbm>> -> memref<1024xi32, #tpu.memory_space<hbm>>
        %dma_start3A_36 = tpu.memref_slice %arg3[%add3A, %mul3A_25] : memref<4x8192xi32, #tpu.memory_space<hbm>> -> memref<1x1024xi32, #tpu.memory_space<hbm>>
        %dma_start3A_37 = tpu.memref_squeeze %dma_start3A_36 : memref<1x1024xi32, #tpu.memory_space<hbm>> -> memref<1024xi32, #tpu.memory_space<hbm>>
        tpu.enqueue_dma source(%dma_start3A_37 : memref<1024xi32, #tpu.memory_space<hbm>>) target(%arg5 : memref<1024xi32, #tpu.memory_space<vmem>>) target_semaphore(%run_scoped3A : memref<!tpu.dma_semaphore, #tpu.memory_space<semaphore_mem>>)
        %dma_wait3A = tpu.memref_slice %arg3[%add3A, %mul3A_25] : memref<4x8192xi32, #tpu.memory_space<hbm>> -> memref<1x1024xi32, #tpu.memory_space<hbm>>
        %dma_wait3A_38 = tpu.memref_squeeze %dma_wait3A : memref<1x1024xi32, #tpu.memory_space<hbm>> -> memref<1024xi32, #tpu.memory_space<hbm>>
        %dma_wait3A_39 = tpu.memref_slice %arg3[%add3A, %mul3A_25] : memref<4x8192xi32, #tpu.memory_space<hbm>> -> memref<1x1024xi32, #tpu.memory_space<hbm>>
        %dma_wait3A_40 = tpu.memref_squeeze %dma_wait3A_39 : memref<1x1024xi32, #tpu.memory_space<hbm>> -> memref<1024xi32, #tpu.memory_space<hbm>>
        tpu.wait_dma2 semaphore(%run_scoped3A : memref<!tpu.dma_semaphore, #tpu.memory_space<semaphore_mem>>) src(%dma_wait3A_40 : memref<1024xi32, #tpu.memory_space<hbm>>) dst(%arg5 : memref<1024xi32, #tpu.memory_space<vmem>>)
        tpu.yield
      }) : () -> ()
      %broadcast_in_dim3A = arith.constant 0 : i32
      %broadcast_in_dim3A_26 = vector.broadcast %broadcast_in_dim3A : i32 to vector<16xi32>
      %scan3A = arith.constant 0 : i32
      %scan3A_27 = arith.constant 64 : i32
      %scan3A_28 = arith.addi %scan3A, %scan3A_27 : i32
      %scan3A_29 = arith.constant 1 : i32
      %scan3A_30 = scf.for %scan3A_35 = %scan3A to %scan3A_28 step %scan3A_29 iter_args(%scan3A_36 = %broadcast_in_dim3A_26) -> (vector<16xi32>)  : i32 {
        %mul3A_37 = arith.constant 16 : i32
        %mul3A_38 = arith.muli %scan3A_35, %mul3A_37 : i32
        %get3A = arith.index_cast %mul3A_38 : i32 to index
        %get3A_39 = tpu.vector_load %arg5[%get3A] {strides = array<i32>} : memref<1024xi32, #tpu.memory_space<vmem>>, vector<16xi32>,
        %get3A_40 = vector.shape_cast %get3A_39 : vector<16xi32> to vector<16xi32>
        %add3A_41 = arith.addi %scan3A_36, %get3A_40 : vector<16xi32>
        scf.yield %add3A_41 : vector<16xi32>
      }
      %scan3A_31 = arith.constant 64 : i32
      %swap3A = arith.constant 0 : index
      %swap3A_32 = tpu.vector_load %arg6[%swap3A] {strides = array<i32>} : memref<16xi32, #tpu.memory_space<vmem>>, vector<16xi32>,
      %swap3A_33 = vector.shape_cast %swap3A_32 : vector<16xi32> to vector<16xi32>
      %swap3A_34 = vector.shape_cast %scan3A_30 : vector<16xi32> to vector<16xi32>
      tpu.vector_store %arg6[%swap3A], %swap3A_34 {strides = array<i32>} : memref<16xi32, #tpu.memory_space<vmem>>, vector<16xi32>,
      "tpu.region"() ({
        %run_scoped3A = tpu.sem_alloc : memref<!tpu.dma_semaphore, #tpu.memory_space<semaphore_mem>>
        %dma_start3A = arith.constant 0 : i32
        %dma_start3A_35 = tpu.memref_slice %arg8[%arg1, %dma_start3A] : memref<16x16xi32, #tpu.memory_space<vmem_shared>> -> memref<1x16xi32, #tpu.memory_space<vmem_shared>>
        %dma_start3A_36 = tpu.memref_squeeze %dma_start3A_35 : memref<1x16xi32, #tpu.memory_space<vmem_shared>> -> memref<16xi32, #tpu.memory_space<vmem_shared>>
        %dma_start3A_37 = arith.constant 0 : i32
        %dma_start3A_38 = tpu.memref_slice %arg8[%arg1, %dma_start3A_37] : memref<16x16xi32, #tpu.memory_space<vmem_shared>> -> memref<1x16xi32, #tpu.memory_space<vmem_shared>>
        %dma_start3A_39 = tpu.memref_squeeze %dma_start3A_38 : memref<1x16xi32, #tpu.memory_space<vmem_shared>> -> memref<16xi32, #tpu.memory_space<vmem_shared>>
        tpu.enqueue_dma source(%arg6 : memref<16xi32, #tpu.memory_space<vmem>>) target(%dma_start3A_39 : memref<16xi32, #tpu.memory_space<vmem_shared>>) target_semaphore(%run_scoped3A : memref<!tpu.dma_semaphore, #tpu.memory_space<semaphore_mem>>)
        %dma_wait3A = arith.constant 0 : i32
        %dma_wait3A_40 = tpu.memref_slice %arg8[%arg1, %dma_wait3A] : memref<16x16xi32, #tpu.memory_space<vmem_shared>> -> memref<1x16xi32, #tpu.memory_space<vmem_shared>>
        %dma_wait3A_41 = tpu.memref_squeeze %dma_wait3A_40 : memref<1x16xi32, #tpu.memory_space<vmem_shared>> -> memref<16xi32, #tpu.memory_space<vmem_shared>>
        %dma_wait3A_42 = arith.constant 0 : i32
        %dma_wait3A_43 = tpu.memref_slice %arg8[%arg1, %dma_wait3A_42] : memref<16x16xi32, #tpu.memory_space<vmem_shared>> -> memref<1x16xi32, #tpu.memory_space<vmem_shared>>
        %dma_wait3A_44 = tpu.memref_squeeze %dma_wait3A_43 : memref<1x16xi32, #tpu.memory_space<vmem_shared>> -> memref<16xi32, #tpu.memory_space<vmem_shared>>
        tpu.wait_dma2 semaphore(%run_scoped3A : memref<!tpu.dma_semaphore, #tpu.memory_space<semaphore_mem>>) src(%arg6 : memref<16xi32, #tpu.memory_space<vmem>>) dst(%dma_wait3A_44 : memref<16xi32, #tpu.memory_space<vmem_shared>>)
        tpu.yield
      }) : () -> ()
    } else {
    }
    %barrier3A = arith.constant 0 : index
    tpu.barrier barrier_id(%barrier3A)
    %convert_element_type3A_21 = arith.extui %lt3A_19 : i1 to i32
    %cond3A_22 = arith.constant 0 : i32
    %cond3A_23 = arith.cmpi ne, %convert_element_type3A_21, %cond3A_22 : i32
    scf.if %cond3A_23 {
      %mul3A_24 = arith.constant 8 : i32
      %mul3A_25 = arith.muli %select_n3A, %mul3A_24 : i32
      "tpu.region"() ({
        %run_scoped3A = tpu.sem_alloc : memref<!tpu.dma_semaphore, #tpu.memory_space<semaphore_mem>>
        %dma_start3A = arith.constant 0 : i32
        %dma_start3A_123 = tpu.memref_slice %arg8[%mul3A_25, %dma_start3A] : memref<16x16xi32, #tpu.memory_space<vmem_shared>> -> memref<8x16xi32, #tpu.memory_space<vmem_shared>>
        %dma_start3A_124 = arith.constant 0 : i32
        %dma_start3A_125 = tpu.memref_slice %arg8[%mul3A_25, %dma_start3A_124] : memref<16x16xi32, #tpu.memory_space<vmem_shared>> -> memref<8x16xi32, #tpu.memory_space<vmem_shared>>
        tpu.enqueue_dma source(%dma_start3A_125 : memref<8x16xi32, #tpu.memory_space<vmem_shared>>) target(%arg7 : memref<8x16xi32, #tpu.memory_space<vmem>>) target_semaphore(%run_scoped3A : memref<!tpu.dma_semaphore, #tpu.memory_space<semaphore_mem>>)
        %dma_wait3A = arith.constant 0 : i32
        %dma_wait3A_126 = tpu.memref_slice %arg8[%mul3A_25, %dma_wait3A] : memref<16x16xi32, #tpu.memory_space<vmem_shared>> -> memref<8x16xi32, #tpu.memory_space<vmem_shared>>
        %dma_wait3A_127 = arith.constant 0 : i32
        %dma_wait3A_128 = tpu.memref_slice %arg8[%mul3A_25, %dma_wait3A_127] : memref<16x16xi32, #tpu.memory_space<vmem_shared>> -> memref<8x16xi32, #tpu.memory_space<vmem_shared>>
        tpu.wait_dma2 semaphore(%run_scoped3A : memref<!tpu.dma_semaphore, #tpu.memory_space<semaphore_mem>>) src(%dma_wait3A_128 : memref<8x16xi32, #tpu.memory_space<vmem_shared>>) dst(%arg7 : memref<8x16xi32, #tpu.memory_space<vmem>>)
        tpu.yield
      }) : () -> ()
      %get3A = arith.constant 0 : i32
      %get3A_26 = arith.index_cast %get3A : i32 to index
      %get3A_27 = arith.constant 0 : index
      %get3A_28 = tpu.vector_load %arg7[%get3A_26, %get3A_27] {strides = array<i32>} : memref<8x16xi32, #tpu.memory_space<vmem>>, vector<1x16xi32>,
      %get3A_29 = vector.shape_cast %get3A_28 : vector<1x16xi32> to vector<16xi32>
      %get3A_30 = arith.constant 1 : i32
      %get3A_31 = arith.index_cast %get3A_30 : i32 to index
      %get3A_32 = arith.constant 0 : index
      %get3A_33 = tpu.vector_load %arg7[%get3A_31, %get3A_32] {strides = array<i32>} : memref<8x16xi32, #tpu.memory_space<vmem>>, vector<1x16xi32>,
      %get3A_34 = vector.shape_cast %get3A_33 : vector<1x16xi32> to vector<16xi32>
      %add3A_35 = arith.addi %get3A_29, %get3A_34 : vector<16xi32>
      %get3A_36 = arith.constant 2 : i32
      %get3A_37 = arith.index_cast %get3A_36 : i32 to index
      %get3A_38 = arith.constant 0 : index
      %get3A_39 = tpu.vector_load %arg7[%get3A_37, %get3A_38] {strides = array<i32>} : memref<8x16xi32, #tpu.memory_space<vmem>>, vector<1x16xi32>,
      %get3A_40 = vector.shape_cast %get3A_39 : vector<1x16xi32> to vector<16xi32>
      %add3A_41 = arith.addi %add3A_35, %get3A_40 : vector<16xi32>
      %get3A_42 = arith.constant 3 : i32
      %get3A_43 = arith.index_cast %get3A_42 : i32 to index
      %get3A_44 = arith.constant 0 : index
      %get3A_45 = tpu.vector_load %arg7[%get3A_43, %get3A_44] {strides = array<i32>} : memref<8x16xi32, #tpu.memory_space<vmem>>, vector<1x16xi32>,
      %get3A_46 = vector.shape_cast %get3A_45 : vector<1x16xi32> to vector<16xi32>
      %add3A_47 = arith.addi %add3A_41, %get3A_46 : vector<16xi32>
      %get3A_48 = arith.constant 4 : i32
      %get3A_49 = arith.index_cast %get3A_48 : i32 to index
      %get3A_50 = arith.constant 0 : index
      %get3A_51 = tpu.vector_load %arg7[%get3A_49, %get3A_50] {strides = array<i32>} : memref<8x16xi32, #tpu.memory_space<vmem>>, vector<1x16xi32>,
      %get3A_52 = vector.shape_cast %get3A_51 : vector<1x16xi32> to vector<16xi32>
      %add3A_53 = arith.addi %add3A_47, %get3A_52 : vector<16xi32>
      %get3A_54 = arith.constant 5 : i32
      %get3A_55 = arith.index_cast %get3A_54 : i32 to index
      %get3A_56 = arith.constant 0 : index
      %get3A_57 = tpu.vector_load %arg7[%get3A_55, %get3A_56] {strides = array<i32>} : memref<8x16xi32, #tpu.memory_space<vmem>>, vector<1x16xi32>,
      %get3A_58 = vector.shape_cast %get3A_57 : vector<1x16xi32> to vector<16xi32>
      %add3A_59 = arith.addi %add3A_53, %get3A_58 : vector<16xi32>
      %get3A_60 = arith.constant 6 : i32
      %get3A_61 = arith.index_cast %get3A_60 : i32 to index
      %get3A_62 = arith.constant 0 : index
      %get3A_63 = tpu.vector_load %arg7[%get3A_61, %get3A_62] {strides = array<i32>} : memref<8x16xi32, #tpu.memory_space<vmem>>, vector<1x16xi32>,
      %get3A_64 = vector.shape_cast %get3A_63 : vector<1x16xi32> to vector<16xi32>
      %add3A_65 = arith.addi %add3A_59, %get3A_64 : vector<16xi32>
      %get3A_66 = arith.constant 7 : i32
      %get3A_67 = arith.index_cast %get3A_66 : i32 to index
      %get3A_68 = arith.constant 0 : index
      %get3A_69 = tpu.vector_load %arg7[%get3A_67, %get3A_68] {strides = array<i32>} : memref<8x16xi32, #tpu.memory_space<vmem>>, vector<1x16xi32>,
      %get3A_70 = vector.shape_cast %get3A_69 : vector<1x16xi32> to vector<16xi32>
      %add3A_71 = arith.addi %add3A_65, %get3A_70 : vector<16xi32>
      %slice3A = vector.extract_strided_slice %add3A_71 {offsets = [0], sizes = [1], strides = [1]} : vector<16xi32> to vector<1xi32>
      %squeeze3A = vector.extract %slice3A[0] : i32 from vector<1xi32>
      %slice3A_72 = vector.extract_strided_slice %add3A_71 {offsets = [1], sizes = [1], strides = [1]} : vector<16xi32> to vector<1xi32>
      %squeeze3A_73 = vector.extract %slice3A_72[0] : i32 from vector<1xi32>
      %add3A_74 = arith.addi %squeeze3A, %squeeze3A_73 : i32
      %slice3A_75 = vector.extract_strided_slice %add3A_71 {offsets = [2], sizes = [1], strides = [1]} : vector<16xi32> to vector<1xi32>
      %squeeze3A_76 = vector.extract %slice3A_75[0] : i32 from vector<1xi32>
      %add3A_77 = arith.addi %add3A_74, %squeeze3A_76 : i32
      %slice3A_78 = vector.extract_strided_slice %add3A_71 {offsets = [3], sizes = [1], strides = [1]} : vector<16xi32> to vector<1xi32>
      %squeeze3A_79 = vector.extract %slice3A_78[0] : i32 from vector<1xi32>
      %add3A_80 = arith.addi %add3A_77, %squeeze3A_79 : i32
      %slice3A_81 = vector.extract_strided_slice %add3A_71 {offsets = [4], sizes = [1], strides = [1]} : vector<16xi32> to vector<1xi32>
      %squeeze3A_82 = vector.extract %slice3A_81[0] : i32 from vector<1xi32>
      %add3A_83 = arith.addi %add3A_80, %squeeze3A_82 : i32
      %slice3A_84 = vector.extract_strided_slice %add3A_71 {offsets = [5], sizes = [1], strides = [1]} : vector<16xi32> to vector<1xi32>
      %squeeze3A_85 = vector.extract %slice3A_84[0] : i32 from vector<1xi32>
      %add3A_86 = arith.addi %add3A_83, %squeeze3A_85 : i32
      %slice3A_87 = vector.extract_strided_slice %add3A_71 {offsets = [6], sizes = [1], strides = [1]} : vector<16xi32> to vector<1xi32>
      %squeeze3A_88 = vector.extract %slice3A_87[0] : i32 from vector<1xi32>
      %add3A_89 = arith.addi %add3A_86, %squeeze3A_88 : i32
      %slice3A_90 = vector.extract_strided_slice %add3A_71 {offsets = [7], sizes = [1], strides = [1]} : vector<16xi32> to vector<1xi32>
      %squeeze3A_91 = vector.extract %slice3A_90[0] : i32 from vector<1xi32>
      %add3A_92 = arith.addi %add3A_89, %squeeze3A_91 : i32
      %slice3A_93 = vector.extract_strided_slice %add3A_71 {offsets = [8], sizes = [1], strides = [1]} : vector<16xi32> to vector<1xi32>
      %squeeze3A_94 = vector.extract %slice3A_93[0] : i32 from vector<1xi32>
      %add3A_95 = arith.addi %add3A_92, %squeeze3A_94 : i32
      %slice3A_96 = vector.extract_strided_slice %add3A_71 {offsets = [9], sizes = [1], strides = [1]} : vector<16xi32> to vector<1xi32>
      %squeeze3A_97 = vector.extract %slice3A_96[0] : i32 from vector<1xi32>
      %add3A_98 = arith.addi %add3A_95, %squeeze3A_97 : i32
      %slice3A_99 = vector.extract_strided_slice %add3A_71 {offsets = [10], sizes = [1], strides = [1]} : vector<16xi32> to vector<1xi32>
      %squeeze3A_100 = vector.extract %slice3A_99[0] : i32 from vector<1xi32>
      %add3A_101 = arith.addi %add3A_98, %squeeze3A_100 : i32
      %slice3A_102 = vector.extract_strided_slice %add3A_71 {offsets = [11], sizes = [1], strides = [1]} : vector<16xi32> to vector<1xi32>
      %squeeze3A_103 = vector.extract %slice3A_102[0] : i32 from vector<1xi32>
      %add3A_104 = arith.addi %add3A_101, %squeeze3A_103 : i32
      %slice3A_105 = vector.extract_strided_slice %add3A_71 {offsets = [12], sizes = [1], strides = [1]} : vector<16xi32> to vector<1xi32>
      %squeeze3A_106 = vector.extract %slice3A_105[0] : i32 from vector<1xi32>
      %add3A_107 = arith.addi %add3A_104, %squeeze3A_106 : i32
      %slice3A_108 = vector.extract_strided_slice %add3A_71 {offsets = [13], sizes = [1], strides = [1]} : vector<16xi32> to vector<1xi32>
      %squeeze3A_109 = vector.extract %slice3A_108[0] : i32 from vector<1xi32>
      %add3A_110 = arith.addi %add3A_107, %squeeze3A_109 : i32
      %slice3A_111 = vector.extract_strided_slice %add3A_71 {offsets = [14], sizes = [1], strides = [1]} : vector<16xi32> to vector<1xi32>
      %squeeze3A_112 = vector.extract %slice3A_111[0] : i32 from vector<1xi32>
      %add3A_113 = arith.addi %add3A_110, %squeeze3A_112 : i32
      %slice3A_114 = vector.extract_strided_slice %add3A_71 {offsets = [15], sizes = [1], strides = [1]} : vector<16xi32> to vector<1xi32>
      %squeeze3A_115 = vector.extract %slice3A_114[0] : i32 from vector<1xi32>
      %add3A_116 = arith.addi %add3A_113, %squeeze3A_115 : i32
      %sub3A_117 = arith.constant 1 : i32
      %sub3A_118 = arith.subi %add3A_116, %sub3A_117 : i32
      %min3A = arith.constant 8191 : i32
      %min3A_119 = arith.minsi %sub3A_118, %min3A : i32
      %max3A = arith.constant 0 : i32
      %max3A_120 = arith.maxsi %min3A_119, %max3A : i32
      %mul3A_121 = arith.constant 256 : i32
      %mul3A_122 = arith.muli %rem3A_18, %mul3A_121 : i32
      "tpu.region"() ({
        %run_scoped3A = tpu.sem_alloc : memref<!tpu.dma_semaphore, #tpu.memory_space<semaphore_mem>>
        %dma_start3A = tpu.memref_slice %arg2[%add3A, %max3A_120, %mul3A_122] : memref<4x8192x2048xf32, #tpu.memory_space<hbm>> -> memref<1x1x256xf32, #tpu.memory_space<hbm>>
        %dma_start3A_123 = tpu.memref_squeeze %dma_start3A : memref<1x1x256xf32, #tpu.memory_space<hbm>> -> memref<256xf32, #tpu.memory_space<hbm>>
        %dma_start3A_124 = tpu.memref_slice %arg2[%add3A, %max3A_120, %mul3A_122] : memref<4x8192x2048xf32, #tpu.memory_space<hbm>> -> memref<1x1x256xf32, #tpu.memory_space<hbm>>
        %dma_start3A_125 = tpu.memref_squeeze %dma_start3A_124 : memref<1x1x256xf32, #tpu.memory_space<hbm>> -> memref<256xf32, #tpu.memory_space<hbm>>
        tpu.enqueue_dma source(%dma_start3A_125 : memref<256xf32, #tpu.memory_space<hbm>>) target(%arg9 : memref<256xf32, #tpu.memory_space<vmem>>) target_semaphore(%run_scoped3A : memref<!tpu.dma_semaphore, #tpu.memory_space<semaphore_mem>>)
        %dma_wait3A = tpu.memref_slice %arg2[%add3A, %max3A_120, %mul3A_122] : memref<4x8192x2048xf32, #tpu.memory_space<hbm>> -> memref<1x1x256xf32, #tpu.memory_space<hbm>>
        %dma_wait3A_126 = tpu.memref_squeeze %dma_wait3A : memref<1x1x256xf32, #tpu.memory_space<hbm>> -> memref<256xf32, #tpu.memory_space<hbm>>
        %dma_wait3A_127 = tpu.memref_slice %arg2[%add3A, %max3A_120, %mul3A_122] : memref<4x8192x2048xf32, #tpu.memory_space<hbm>> -> memref<1x1x256xf32, #tpu.memory_space<hbm>>
        %dma_wait3A_128 = tpu.memref_squeeze %dma_wait3A_127 : memref<1x1x256xf32, #tpu.memory_space<hbm>> -> memref<256xf32, #tpu.memory_space<hbm>>
        tpu.wait_dma2 semaphore(%run_scoped3A : memref<!tpu.dma_semaphore, #tpu.memory_space<semaphore_mem>>) src(%dma_wait3A_128 : memref<256xf32, #tpu.memory_space<hbm>>) dst(%arg9 : memref<256xf32, #tpu.memory_space<vmem>>)
        tpu.yield
      }) : () -> ()
      "tpu.region"() ({
        %run_scoped3A = tpu.sem_alloc : memref<!tpu.dma_semaphore, #tpu.memory_space<semaphore_mem>>
        %dma_start3A = tpu.memref_slice %arg4[%add3A, %mul3A_122] : memref<4x2048xf32, #tpu.memory_space<hbm>> -> memref<1x256xf32, #tpu.memory_space<hbm>>
        %dma_start3A_123 = tpu.memref_squeeze %dma_start3A : memref<1x256xf32, #tpu.memory_space<hbm>> -> memref<256xf32, #tpu.memory_space<hbm>>
        %dma_start3A_124 = tpu.memref_slice %arg4[%add3A, %mul3A_122] : memref<4x2048xf32, #tpu.memory_space<hbm>> -> memref<1x256xf32, #tpu.memory_space<hbm>>
        %dma_start3A_125 = tpu.memref_squeeze %dma_start3A_124 : memref<1x256xf32, #tpu.memory_space<hbm>> -> memref<256xf32, #tpu.memory_space<hbm>>
        tpu.enqueue_dma source(%arg9 : memref<256xf32, #tpu.memory_space<vmem>>) target(%dma_start3A_125 : memref<256xf32, #tpu.memory_space<hbm>>) target_semaphore(%run_scoped3A : memref<!tpu.dma_semaphore, #tpu.memory_space<semaphore_mem>>)
        %dma_wait3A = tpu.memref_slice %arg4[%add3A, %mul3A_122] : memref<4x2048xf32, #tpu.memory_space<hbm>> -> memref<1x256xf32, #tpu.memory_space<hbm>>
        %dma_wait3A_126 = tpu.memref_squeeze %dma_wait3A : memref<1x256xf32, #tpu.memory_space<hbm>> -> memref<256xf32, #tpu.memory_space<hbm>>
        %dma_wait3A_127 = tpu.memref_slice %arg4[%add3A, %mul3A_122] : memref<4x2048xf32, #tpu.memory_space<hbm>> -> memref<1x256xf32, #tpu.memory_space<hbm>>
        %dma_wait3A_128 = tpu.memref_squeeze %dma_wait3A_127 : memref<1x256xf32, #tpu.memory_space<hbm>> -> memref<256xf32, #tpu.memory_space<hbm>>
        tpu.wait_dma2 semaphore(%run_scoped3A : memref<!tpu.dma_semaphore, #tpu.memory_space<semaphore_mem>>) src(%arg9 : memref<256xf32, #tpu.memory_space<vmem>>) dst(%dma_wait3A_128 : memref<256xf32, #tpu.memory_space<hbm>>)
        tpu.yield
      }) : () -> ()
    } else {
    }
    return
  }
}

</mosaic_0001>

<sc_bundles>
// kernel: kernel.3.cloned.1.call-start
scs
__scs_entry_jumppad:
0x0: {  	(pc) =	sbr.rel $0x88, $3  }
0x1: {  	(tag) =	ssettag $0x0;
	lr =	simm.s32 $0x1  }
0x2: {  	[smem:$0x3F9F] =	sst lr;
	_ =	strace $0xD0000000  }
0x3: {  	_ = 	snop  }
0x4: {  	_ = 	snop  }
0x5: {  	_ = 	snop  }
0x6: {  	_ = 	snop  }
0x7: {  	_ = 	snop  }
__scs_overlays_trampoline_lowered:
0x8: {  	[smem:$0x3FAE] =	sst s0  }
0x9: {  	[smem:$0x3FAF] =	sst s1  }
0xa: {  	[smem:$0x3FB0] =	sst s2  }
0xb: {  	[smem:$0x3FB1] =	sst s3  }
0xc: {  	[smem:$0x3FB2] =	sst s4  }
0xd: {  	[smem:$0x3FB3] =	sst s5  }
0xe: {  	[smem:$0x3FB4] =	sst s6  }
0xf: {  	[smem:$0x3FB5] =	sst s7  }
0x10: {  	[smem:$0x3FB6] =	sst s8  }
0x11: {  	[smem:$0x3FB7] =	sst s9;
	s0 =	simm.s32 @!p0 $0x0  }
0x12: {  	s1 =	sld [smem:$0x3F9D];
	s0 =	simm.s32 @p0 $0x1  }
0x13: {  	[smem:$0x3FB8] =	sst s0;
	s0 =	simm.s32 @!p1 $0x0  }
0x14: {  	s2 =	sld [smem:$0x3F9C];
	s0 =	simm.s32 @p1 $0x1  }
0x15: {  	[smem:$0x3FB9] =	sst s0;
	s0 =	simm.s32 @!p2 $0x0  }
0x16: {  	s3 =	sld [smem:$0x3FDB];
	s0 =	simm.s32 @p2 $0x1  }
0x17: {  	s4 =	simm.s32 $0x1BF5;
	[smem:$0x3FBB] =	sst s0  }
0x18: {  	s0 =	sld [smem:$0x3F9E];
	_ =	swait.ge [sflag:s4], $0x0  }
0x19: {  	s7 =	sld [smem:$0x3F9F]  }
0x1a: {  	s8 =	sadd.s32 $0xFFFFE003, lr  }
0x1b: {  	s9 =	sadd.s32 $0xFFFFFEF7, lr;
	s5 =	simm.s32 $0xFFFFFFFF;
	p2 =	slt.u32 s8, $0xFFFFF086  }
0x1c: {  	p1 =	slt.u32 s9, $0xF7A;
	s5 =	simm.s32 @!p2 $0x0  }
0x1d: {  	s5 =	simm.s32 @p1 $0x1;
	p0 =	seq.s32 s7, s2  }
0x1e: {  	s7 =	smul.u32 @!p0 $0xF7A, s2;
	p2 =	seq.s32 @!p0 s5, $0x0  }
0x1f: {  	s9 =	smul.u32 $0xF7A, s1;
	s8 =	simm.s32 @!p0 $0x1BF5;
	p2 =	por !p2, p0  }
0x20: {  	[sflag:s8] =	ssyncset.s32 @!p0 $0xFFFFF086;
	s6 =	sadd.s32 @!p0 s3, s7;
	s7 =	simm.s32 @!p0 $0x108  }
0x21: {  	s3 =	sadd.s32 s3, s9;
	s6 =	sadd.s32 @!p0 $0x88, s6;
	s7 =	simm.s32 @p2 $0x1082  }
0x22: {  	[simem:s7], [sflag:s8] =	dma.local @!p0 [hbm:s6], $0xF7A  }
0x23: {  	s9 =	sor.u32 $0xD0000000, s2;
	s6 =	simm.s32 $0x108;
	_ =	swait.ge @!p0 [sflag:s8], $0x0  }
0x24: {  	s3 =	sadd.s32 $0x88, s3;
	s6 =	simm.s32 @!p1 $0x1082;
	[sflag:s4] =	ssyncset.s32 $0xFFFFF086  }
0x25: {  	[simem:s6], [sflag:s4] =	dma.local [hbm:s3], $0xF7A  }
0x26: {  	[smem:$0x3F9F] =	sst s1;
	(tag) =	ssettag s2;
	_ =	strace s9  }
0x27: {  	s1 =	sld [smem:$0x3FAF]  }
0x28: {  	s2 =	sld [smem:$0x3FB0]  }
0x29: {  	s4 =	sld [smem:$0x3FB2]  }
0x2a: {  	p0 =	seq.s32 s5, $0x0;
	s5 =	sld [smem:$0x3FB3]  }
0x2b: {  	s6 =	sld [smem:$0x3FB4]  }
0x2c: {  	s7 =	sld [smem:$0x3FB5]  }
0x2d: {  	s3 =	simm.s32 $0x108;
	s8 =	sld [smem:$0x3FB6]  }
0x2e: {  	s3 =	simm.s32 @!p0 $0x1082;
	s9 =	sld [smem:$0x3FB7]  }
0x2f: {  	lr =	sadd.s32 s0, s3;
	s0 =	sld [smem:$0x3FAE]  }
0x30: {  	s3 =	sld [smem:$0x3FB1]  }
0x31: {  	[smem:$0x3FBA] =	sst s10  }
0x32: {  	s10 =	sld [smem:$0x3FB8];
	_ =	sdelay $0x3  }
0x33: {  	p0 =	seq.s32 s10, $0x1;
	s10 =	sld [smem:$0x3FBA];
	_ =	sdelay $0x3  }
0x34: {  	[smem:$0x3FBA] =	sst s10  }
0x35: {  	s10 =	sld [smem:$0x3FB9];
	_ =	sdelay $0x3  }
0x36: {  	p1 =	seq.s32 s10, $0x1;
	s10 =	sld [smem:$0x3FBA];
	_ =	sdelay $0x3  }
0x37: {  	[smem:$0x3FBA] =	sst s10  }
0x38: {  	s10 =	sld [smem:$0x3FBB]  }
0x39: {  	_ = 	snop;
	(pc) =	sbr.ind lr, $3  }
0x3a: {  	_ = 	snop  }
0x3b: {  	_ = 	snop  }
0x3c: {  	p2 =	seq.s32 s10, $0x1;
	s10 =	sld [smem:$0x3FBA]  }
0x3d: {  	_ =	shalt  }
0x3e: {  	_ =	shalt  }
0x3f: {  	_ =	shalt  }
0x40: {  	_ =	shalt  }
0x41: {  	_ =	shalt  }
0x42: {  	_ =	shalt  }
0x43: {  	_ =	shalt  }
0x44: {  	_ =	shalt  }
0x45: {  	_ =	shalt  }
0x46: {  	_ =	shalt  }
0x47: {  	_ =	shalt  }
0x48: {  	_ =	shalt  }
0x49: {  	_ =	shalt  }
0x4a: {  	_ =	shalt  }
0x4b: {  	_ =	shalt  }
0x4c: {  	_ =	shalt  }
0x4d: {  	_ =	shalt  }
0x4e: {  	_ =	shalt  }
0x4f: {  	_ =	shalt  }
0x50: {  	_ =	shalt  }
0x51: {  	_ =	shalt  }
0x52: {  	_ =	shalt  }
0x53: {  	_ =	shalt  }
0x54: {  	_ =	shalt  }
0x55: {  	_ =	shalt  }
0x56: {  	_ =	shalt  }
0x57: {  	_ =	shalt  }
0x58: {  	_ =	shalt  }
0x59: {  	_ =	shalt  }
0x5a: {  	_ =	shalt  }
0x5b: {  	_ =	shalt  }
0x5c: {  	_ =	shalt  }
0x5d: {  	_ =	shalt  }
0x5e: {  	_ =	shalt  }
0x5f: {  	_ =	shalt  }
0x60: {  	_ =	shalt  }
0x61: {  	_ =	shalt  }
0x62: {  	_ =	shalt  }
0x63: {  	_ =	shalt  }
0x64: {  	_ =	shalt  }
0x65: {  	_ =	shalt  }
0x66: {  	_ =	shalt  }
0x67: {  	_ =	shalt  }
0x68: {  	_ =	shalt  }
0x69: {  	_ =	shalt  }
0x6a: {  	_ =	shalt  }
0x6b: {  	_ =	shalt  }
0x6c: {  	_ =	shalt  }
0x6d: {  	_ =	shalt  }
0x6e: {  	_ =	shalt  }
0x6f: {  	_ =	shalt  }
0x70: {  	_ =	shalt  }
0x71: {  	_ =	shalt  }
0x72: {  	_ =	shalt  }
0x73: {  	_ =	shalt  }
0x74: {  	_ =	shalt  }
0x75: {  	_ =	shalt  }
0x76: {  	_ =	shalt  }
0x77: {  	_ =	shalt  }
0x78: {  	_ =	shalt  }
0x79: {  	_ =	shalt  }
0x7a: {  	_ =	shalt  }
0x7b: {  	_ =	shalt  }
0x7c: {  	_ =	shalt  }
0x7d: {  	_ =	shalt  }
0x7e: {  	_ =	shalt  }
0x7f: {  	_ =	shalt  }
0x80: {  	_ =	shalt  }
0x81: {  	_ =	shalt  }
0x82: {  	_ =	shalt  }
0x83: {  	_ =	shalt  }
0x84: {  	_ =	shalt  }
0x85: {  	_ =	shalt  }
0x86: {  	_ =	shalt  }
0x87: {  	_ =	shalt  }
.Lfunc_end0:
.L_simem_size_0:
called_computation_lowered:
.L_overlay_start_0:
0x88: {  	s2 =	sld [smem:$0x3FD9]  }
0x89: {  	s3 =	sld [smem:$0x3FFE];
	_ =	sdelay $0x1  }
0x8a: {  	s1 =	srdreg.scid  }
0x8b: {  	s0 =	sand.u32 $0x1, s1  }
0x8c: {  	s18 =	sshll.u32 s0, $0xA;
	s2 =	sadd.s32 s3, s2  }
0x8d: {  	s2 =	sadd.s32 s2, s18  }
0x8e: {  	[smem:$0x3FC6] =	sst s2  }
0x8f: {  	_ = 	snop  }
0x90: {  	s2 =	sld [smem:$0x3FC9]  }
0x91: {  	s19 =	sld [smem:$0x3FC8]  }
0x92: {  	s4 =	sld [smem:$0x3FD0];
	(tm) =	ssettm $0x1  }
0x93: {  	s5 =	sld [smem:$0x3FFB];
	_ =	sdelay $0x3  }
0x94: {  	_ =	strace s5  }
0x95: {  	s5 =	sld [smem:$0x3FFC];
	_ =	sdelay $0x3  }
0x96: {  	_ =	strace s5  }
0x97: {  	s5 =	sld [smem:$0x3FFD];
	_ =	sdelay $0x3  }
0x98: {  	_ =	strace s5  }
0x99: {  	_ =	strace $0x8FFFFFFF  }
0x9a: {  	s20 =	sld [smem:$0x3FDB];
	_ =	sdelay $0x1  }
0x9b: {  	s6 =	simm.s32 $_scs_section_size  }
0x9c: {  	s7 =	simm.s32 $_size__tile_overlayer_lowered;
	s8 =	simm.s32 $_tile_overlayer_lowered  }
0x9d: {  	s23 =	simm.s32 $0x1BFF;
	s22 =	sshll.u32 s8, $0x1;
	s5 =	sadd.s32 s6, s20  }
0x9e: {  	s9 =	simm.s32 $0x0;
	s21 =	sshll.u32 s7, $0x1;
	s7 =	sadd.s32 s22, s5  }
0x9f: {  	[timem:s9], [sflag:s23] =	dma.local [hbm:s7], s21  }
0xa0: {  	_ =	swait.ge [sflag:s23], s21  }
0xa1: {  	s6 =	ssub.s32 $0x0, s21;
	[sflag:s23] =	ssyncset.done $0x0  }
0xa2: {  	[sflag:s23] =	ssyncadd.s32 s6;
	_ =	sdelay $0x1  }
0xa3: {  	s24 =	simm.s32 $0x1B8B  }
0xa4: {  	_ =	swait.ge [sflag:s24], $0x1  }
0xa5: {  	[sflag:s24] =	ssyncset.done $0x0  }
0xa6: {  	s25 =	simm.s32 $0x1B8E;
	[sflag:s24] =	ssyncadd.s32 $0xFFFFFFFF  }
0xa7: {  	s26 =	simm.s32 $execute0_lowered;
	[smem:$0x3FD2] =	sst s25  }
0xa8: {  	s6 =	sshll.u32 s26, $0x1;
	_ =	strace $0x80000046;
	[dreg:$0x1] =	wrdreg $0xFFFFFFFF  }
0xa9: {  	s28 =	simm.s32 $_size_execute0_lowered;
	s5 =	sadd.s32 s5, s6;
	[dreg:$0x0] =	wrdreg $0x0  }
0xaa: {  	s6 =	sshll.u32 s28, $0x1;
	[dreg:$0x2] =	wrdreg s5  }
0xab: {  	[dreg:$0x3] =	wrdreg s6  }
0xac: {  	[dreg:$0x4] =	wrdreg $0xC0  }
0xad: {  	_ =	task [dreg:s9], $0x5FFFF  }
0xae: {  	[dreg:$0x1] =	wrdreg $0xFFFFFFFF  }
0xaf: {  	[dreg:$0x0] =	wrdreg $0x60  }
0xb0: {  	[dreg:$0x2] =	wrdreg s2  }
0xb1: {  	[dreg:$0x3] =	wrdreg s19  }
0xb2: {  	[dreg:$0x4] =	wrdreg s4  }
0xb3: {  	[dreg:$0x5] =	wrdreg $0x8800  }
0xb4: {  	[dreg:$0x6] =	wrdreg $0x9  }
0xb5: {  	_ =	task.clear_ibuf [dreg:s9], $0x7FFFF;
	_ =	strace $0x90000046  }
0xb6: {  	s29 =	simm.s32 $0x9;
	_ =	strace $0x80000048  }
0xb7: {  	_ =	swait.ge [sflag:s29], $0x1  }
0xb8: {  	[sflag:s29] =	ssyncadd.s32 $0xFFFFFFFF  }
0xb9: {  	_ =	strace $0x90000048  }
0xba: {  	_ =	sfence  }
0xbb: {  	s30 =	sld [smem:$0x0];
	_ =	sdelay $0x2  }
0xbc: {  	s31 =	sshll.u32 s1, $0xD;
	s1 =	sshrl.u32 s1, $0x2  }
0xbd: {  	s3 =	sand.u32 $0x4000, s31;
	s1 =	sadd.s32 s1, s30  }
0xbe: {  	s0 =	sor.u32 s3, s0;
	s1 =	sshll.u32 s1, $0x11  }
0xbf: {  	s0 =	sor.u32 s1, s0  }
0xc0: {  	s0 =	sadd.s32 $0x8F2B, s0  }
0xc1: {  	[sflag:s0] =	ssyncadd.remote.s32 $0x1  }
0xc2: {  	_ =	sfence.sel $0xFFFF  }
0xc3: {  	[dreg:$0x0] =	wrdreg $0xFFFFFFFF;
	(pc) =	sbr.abs _section_cstart, $3  }
0xc4: {  	[dreg:$0x1] =	wrdreg $0xFFFFFFFF  }
0xc5: {  	_ =	task.clear_ibuf [dreg:s9], $0x2FFFF;
	_ =	strace $0x9FFFFFFF  }
0xc6: {  	(tm) =	ssettm $0x7FFFFFFF  }
0xc7: {  	_ =	shalt  }
tec
execute0_lowered:
.L_overlay_start_1:
0x0: {  	(tag) =	ssettag $0x1  }
0x1: {  	s5 =	rddreg [dreg:$0x0]  }
0x2: {  	s3 =	rddreg [dreg:$0x1]  }
0x3: {  	s7 =	rddreg [dreg:$0x2];
	s0 =	srdreg.scid  }
0x4: {  	s6 =	rddreg [dreg:$0x3];
	s1 =	stileid.u32;
	s2 =	simm.s32 $0x0  }
0x5: {  	s15 =	simm.s32 $0x0;
	s4 =	sand.u32 $0x1, s0;
	s0 =	rddreg [dreg:$0x4]  }
0x6: {  	s8 =	sshrl.u32 s1, $0x3;
	s10 =	sand.u32 $0x7, s1;
	[smem:$0x7FF] =	sst s2  }
0x7: {  	s14 =	sshll.u32 s1, $0x7;
	s9 =	sshll.u32 s4, $0x1;
	s12 =	sshll.u32 s10, $0xC  }
0x8: {  	_ =	strace $0x80000047;
	s4 =	ssub.s32 $0x2, s4;
	s30 =	sshll.u32 s10, $0x8  }
0x9: {  	s10 =	sshll.u32 s10, $0xA;
	s9 =	sor.u32 s8, s9;
	s13 =	sshrl.u32 s4, $0x1  }
0xa: {  	s8 =	sshll.u32 s8, $0xA;
	s11 =	sshll.u32 s9, $0x7;
	s13 =	ssub.s32 s4, s13  }
0xb: {  	s4 =	sadd.s32 s14, s6;
	s9 =	sshll.u32 s9, $0x15;
	s14 =	simm.s32 $0x890  }
0xc: {  	s12 =	sor.u32 s12, s11;
	s10 =	sor.u32 s10, s11;
	s11 =	simm.s32 $0x1  }
0xd: {  	s12 =	sshrl.u32 s12, $0x3;
	s31 =	sshrl.u32 s10, $0x3;
	s10 =	simm.s32 $0x200  }
0xe: {  	s3 =	sadd.s32 s3, s12;
	s12 =	sadd.s32 s5, s30;
	s5 =	sadd.s32 s8, s6  }
0xf: {  	s7 =	sadd.s32 s7, s31;
	s8 =	smax.u32 s13, $0x1;
	s13 =	simm.s32 $0x480  }
0x10: {  	s6 =	sadd.s32 s9, s12;
	s9 =	simm.s32 $0x80;
	s12 =	simm.s32 $0x400  }
.LBB2_1:
0x11: {  	[tilespmem:s2], [sflag:$0x1] =	stream.strided.gather [hbm4b:s3+s9], $0x400, s10, s9, $0x38;
	[tilespmem:$0x990] =	vst v63  }
0x12: {  	_ =	swait.ge [sflag:s11], $0x400  }
0x13: {  	[sflag:s11] =	ssyncset.done $0x0  }
0x14: {  	s17 =	simm.s32 $0x0;
	[sflag:s11] =	ssyncadd.s32 $0xFFFFFC00  }
0x15: {  	v0 =	vimm.s32 $0x0;
	s16 =	simm.s32 $0x40;
	v1 =	vld [tilespmem:s17+$0x0]  }
.LBB2_2:
0x16: {  	p0 =	sne.s32 s16, $0xFC0  }
.Ltmp0:
0x17: {  	_ = 	snop;
	(pc) =	sbr.rel @p0 .LBB2_2-.Ltmp0, $3  }
0x18: {  	_ =	sdelay $0x1  }
0x19: {  	s17 =	sshra.s32 s16, $0x2;
	s16 =	sadd.s32 $0x40, s16;
	v0 =	vadd.s32 v0, v1  }
0x1a: {  	v1 =	vld [tilespmem:s17+$0x0]  }
0x1b: {  	_ =	sdelay $0x3  }
0x1c: {  	v0 =	vadd.s32 v0, v1  }
0x1d: {  	[tilespmem:$0x400] =	vst v0  }
0x1e: {  	[spmem:s4] =	stream.linear.scatter [tilespmem:s12], [sflag:$0x1], $0x80, $0x38;
	[tilespmem:$0x990] =	vst v63  }
0x1f: {  	_ =	swait.ge [sflag:s11], $0x80  }
0x20: {  	[sflag:s11] =	ssyncset.done $0x0  }
0x21: {  	[sflag:s11] =	ssyncadd.s32 $0xFFFFFF80  }
0x22: {  	[bflag:$0x0] =	sbarrier.arrive $0xFFFF  }
0x23: {  	[tilespmem:s13], [sflag:$0x1] =	stream.linear.gather [spmem:s5], $0x400, $0x38;
	[tilespmem:$0x990] =	vst v63  }
0x24: {  	_ =	swait.ge [sflag:s11], $0x400  }
0x25: {  	[sflag:s11] =	ssyncset.done $0x0  }
0x26: {  	[sflag:s11] =	ssyncadd.s32 $0xFFFFFC00  }
0x27: {  	v60 =	vld [tilespmem:$0x480]  }
0x28: {  	v61 =	vld [tilespmem:$0x500]  }
0x29: {  	v2 =	vld [tilespmem:$0x580]  }
0x2a: {  	v3 =	vld [tilespmem:$0x600]  }
0x2b: {  	v4 =	vld [tilespmem:$0x680]  }
0x2c: {  	v5 =	vld [tilespmem:$0x700]  }
0x2d: {  	v62 =	vld [tilespmem:$0x780];
	v0 =	vadd.s32 v60, v61  }
0x2e: {  	v63 =	vld [tilespmem:$0x800];
	v0 =	vadd.s32 v2, v0  }
0x2f: {  	v0 =	vadd.s32 v3, v0  }
0x30: {  	v0 =	vadd.s32 v4, v0  }
0x31: {  	v0 =	vadd.s32 v5, v0  }
0x32: {  	v0 =	vadd.s32 v62, v0  }
0x33: {  	v0 =	vadd.s32 v63, v0  }
0x34: {  	(v2sf) =	vpush v0, $0x0  }
0x35: {  	(v2sf) =	vpush v0, $0x1  }
0x36: {  	(v2sf) =	vpush v0, $0x2  }
0x37: {  	(v2sf) =	vpush v0, $0x3  }
0x38: {  	(v2sf) =	vpush v0, $0x4  }
0x39: {  	(v2sf) =	vpush v0, $0x5  }
0x3a: {  	(v2sf) =	vpush v0, $0x6  }
0x3b: {  	(v2sf) =	vpush v0, $0x7  }
0x3c: {  	(v2sf) =	vpush v0, $0x8  }
0x3d: {  	(v2sf) =	vpush v0, $0x9  }
0x3e: {  	(v2sf) =	vpush v0, $0xA  }
0x3f: {  	(v2sf) =	vpush v0, $0xB  }
0x40: {  	(v2sf) =	vpush v0, $0xC  }
0x41: {  	(v2sf) =	vpush v0, $0xD  }
0x42: {  	(v2sf) =	vpush v0, $0xE  }
0x43: {  	s16 =	spop (v2sf);
	(v2sf) =	vpush v0, $0xF  }
0x44: {  	s17 =	spop (v2sf)  }
0x45: {  	s16 =	sadd.s32 s16, s17;
	s30 =	spop (v2sf)  }
0x46: {  	s16 =	sadd.s32 s30, s16;
	s31 =	spop (v2sf)  }
0x47: {  	s16 =	sadd.s32 s31, s16;
	s18 =	spop (v2sf)  }
0x48: {  	s16 =	sadd.s32 s18, s16;
	s19 =	spop (v2sf)  }
0x49: {  	s16 =	sadd.s32 s19, s16;
	s20 =	spop (v2sf)  }
0x4a: {  	s16 =	sadd.s32 s20, s16;
	s21 =	spop (v2sf)  }
0x4b: {  	s16 =	sadd.s32 s21, s16;
	s22 =	spop (v2sf)  }
0x4c: {  	s16 =	sadd.s32 s22, s16;
	s23 =	spop (v2sf)  }
0x4d: {  	s16 =	sadd.s32 s23, s16;
	s24 =	spop (v2sf)  }
0x4e: {  	s16 =	sadd.s32 s24, s16;
	s25 =	spop (v2sf)  }
0x4f: {  	s16 =	sadd.s32 s25, s16;
	s26 =	spop (v2sf)  }
0x50: {  	s16 =	sadd.s32 s26, s16;
	s28 =	spop (v2sf)  }
0x51: {  	s16 =	sadd.s32 s28, s16;
	s29 =	spop (v2sf)  }
0x52: {  	s16 =	sadd.s32 s29, s16;
	s30 =	spop (v2sf)  }
0x53: {  	s16 =	sadd.s32 s30, s16  }
0x54: {  	s16 =	sadd.s32 $0xFFFFFFFF, s16  }
0x55: {  	p0 =	sgt.s32 s16, $0x0  }
0x56: {  	s16 =	simm.s32 @!p0 $0x0  }
0x57: {  	s16 =	smin.u32 s16, $0x1FFF  }
0x58: {  	s31 =	sshll.u32 s16, $0x8  }
0x59: {  	s16 =	sshll.u32 s16, $0x4;
	s17 =	sand.u32 $0x1FF800, s31  }
0x5a: {  	s16 =	sand.u32 $0x70, s16;
	s17 =	sadd.s32 s17, s6  }
0x5b: {  	s16 =	sadd.s32 s16, s17  }
0x5c: {  	[tilespmem:s14], [sflag:$0x1] =	stream.strided.gather [hbm4b:s16+s9], $0x100, s12, s9, $0x38;
	[tilespmem:$0x990] =	vst v63  }
0x5d: {  	s15 =	sadd.s32 $0x1, s15;
	_ =	swait.ge [sflag:s11], $0x100  }
0x5e: {  	p0 =	sne.s32 s15, s8;
	[sflag:s11] =	ssyncset.done $0x0  }
.Ltmp1:
0x5f: {  	[sflag:s11] =	ssyncadd.s32 $0xFFFFFF00;
	(pc) =	sbr.rel @p0 .LBB2_1-.Ltmp1, $4  }
0x60: {  	[hbm4b:s7+s9] =	stream.strided.scatter [tilespmem:s14], [sflag:$0x1], $0x100, s10, s9, $0x38;
	[tilespmem:$0x990] =	vst v63  }
0x61: {  	_ =	swait.ge [sflag:s11], $0x100  }
0x62: {  	[sflag:s11] =	ssyncset.done $0x0  }
0x63: {  	[sflag:s11] =	ssyncadd.s32 $0xFFFFFF00  }
0x64: {  	_ =	sfence.sel $0x180000  }
0x65: {  	[bflag:$0x0] =	sbarrier.arrive $0xFFFF  }
0x66: {  	p0 =	sne.s32 s1, $0x0;
	_ =	strace $0x90000047  }
0x67: {  	s0 =	sadd.s32 @!p0 $0x100000, s0;
	[bflag:$0x2] =	sbarrier.arrive $0xFFFF  }
0x68: {  	[sflag:s0] =	ssyncadd.tile.s32 @!p0 $0x1;
	_ =	shalt  }
.Lfunc_end2:
_tile_overlayer_lowered:
.L_overlay_start_2:
0x69: {  	(tag) =	ssettag $0x2  }
0x6a: {  	s0 =	rddreg [dreg:$0x0];
	s2 =	stileid.u32  }
0x6b: {  	s1 =	rddreg [dreg:$0x1];
	p0 =	sne.s32 s2, $0x0  }
0x6c: {  	s3 =	rddreg [dreg:$0x2];
	[bflag:$0x3] =	sbarrier.arrive $0xFFFF;
	s2 =	simm.s32 @!p0 $0x1C01  }
0x6d: {  	[timem:s3], [sflag:s2] =	dma.local @!p0 [hbm:s0], s1  }
0x6e: {  	s0 =	simm.s32 @!p0 $0x1  }
0x6f: {  	_ =	swait.ge @!p0 [sflag:s0], s1  }
0x70: {  	s1 =	ssub.s32 @!p0 $0x0, s1;
	[sflag:s0] =	ssyncset.done @!p0 $0x0  }
0x71: {  	[sflag:s0] =	ssyncadd.s32 @!p0 s1  }
0x72: {  	[bflag:$0x3] =	sbarrier.arrive $0xFFFF  }
0x73: {  	_ =	shalt  }

</sc_bundles>
